<compile_context>
chip_gen: v7x
topology: tpu7x:2x2x1
jax: 0.10.2.dev20260603
libtpu: 0.0.44.dev20260713+nightly
codegen_flags: <defaults>
</compile_context>

<pallas_src>
import functools

import jax
import jax.numpy as jnp
from jax import lax
from jax.experimental import pallas as pl
from jax.experimental.pallas import tpu as pltpu
from jax.experimental.pallas import tpu_sc as plsc


def _project_table_tc(tableT, W2, bb):
    C, D = W2.shape
    V = tableT.shape[1]
    NBLK = 16384
    grid = pl.cdiv(V, NBLK)

    def proj(t_ref, w_ref, b_ref, o0_ref, o1_ref):
        r = (
            jnp.dot(w_ref[...], t_ref[...], preferred_element_type=jnp.float32)
            + b_ref[...]
        )
        o0_ref[...] = r[0]
        o1_ref[...] = r[1]

    return pl.pallas_call(
        proj,
        grid=(grid,),
        in_specs=[
            pl.BlockSpec((D, NBLK), lambda i: (0, i)),
            pl.BlockSpec((C, D), lambda i: (0, 0)),
            pl.BlockSpec((C, 1), lambda i: (0, 0)),
        ],
        out_specs=[
            pl.BlockSpec((NBLK,), lambda i: (i,)),
            pl.BlockSpec((NBLK,), lambda i: (i,)),
        ],
        out_shape=[
            jax.ShapeDtypeStruct((V,), jnp.float32),
            jax.ShapeDtypeStruct((V,), jnp.float32),
        ],
    )(tableT, W2, bb)


def _gather_pool_sc(idsT, p0, p1, B, S):
    NW = 32
    b_per_w = B // NW
    L = 16

    mesh = plsc.VectorSubcoreMesh(core_axis_name="c", subcore_axis_name="s")

    @functools.partial(
        pl.kernel,
        out_type=jax.ShapeDtypeStruct((2, B), jnp.float32),
        mesh=mesh,
        scratch_types=[
            pltpu.VMEM((S, b_per_w), jnp.int32),
            pltpu.VMEM((S * b_per_w,), jnp.float32),
            pltpu.VMEM((S * b_per_w,), jnp.float32),
            pltpu.VMEM((2, b_per_w), jnp.float32),
            pltpu.SemaphoreType.DMA,
        ],
        compiler_params=pltpu.CompilerParams(use_tc_tiling_on_sc=False),
    )
    def gpool(ids_hbm, p0_hbm, p1_hbm, out_hbm, idx_v, g0_v, g1_v, out_v, sem):
        wid = lax.axis_index("s") * 2 + lax.axis_index("c")
        base = wid * b_per_w

        pltpu.sync_copy(ids_hbm.at[:, pl.ds(base, b_per_w)], idx_v)

        def fire(s, carry):
            pltpu.async_copy(
                p0_hbm.at[idx_v.at[s]],
                g0_v.at[pl.ds(s * b_per_w, b_per_w)], sem)
            pltpu.async_copy(
                p1_hbm.at[idx_v.at[s]],
                g1_v.at[pl.ds(s * b_per_w, b_per_w)], sem)
            return carry

        lax.fori_loop(0, S, fire, 0)

        pltpu.make_async_copy(
            p0_hbm.at[pl.ds(0, S * b_per_w)], g0_v, sem).wait()
        pltpu.make_async_copy(
            p1_hbm.at[pl.ds(0, S * b_per_w)], g1_v, sem).wait()

        for jg in range(b_per_w // L):
            off = jg * L

            def red(s, accs):
                a0, a1 = accs
                a0 = a0 + g0_v[pl.ds(s * b_per_w + off, L)]
                a1 = a1 + g1_v[pl.ds(s * b_per_w + off, L)]
                return (a0, a1)

            z = jnp.zeros((L,), jnp.float32)
            a0, a1 = lax.fori_loop(0, S, red, (z, z))
            out_v[0, pl.ds(off, L)] = a0
            out_v[1, pl.ds(off, L)] = a1

        pltpu.sync_copy(out_v.at[0], out_hbm.at[0, pl.ds(base, b_per_w)])
        pltpu.sync_copy(out_v.at[1], out_hbm.at[1, pl.ds(base, b_per_w)])

    return gpool(idsT, p0, p1)


@jax.jit
def kernel(input_ids, embed_table, W, b):
    B, S = input_ids.shape
    C = W.shape[1]
    idsT = input_ids.astype(jnp.int32).T
    tableT = embed_table.T
    W2 = (W * (1.0 / S)).T
    bb = (b * (1.0 / S)).reshape(C, 1)
    p0, p1 = _project_table_tc(tableT, W2, bb)
    pooledT = _gather_pool_sc(idsT, p0, p1, B, S)
    return pooledT.T

# --- scband reference (transcript-rebuilt; emitter-appended) ---
"""Pipeline reference for scband-simple-text-classifier-14173392076802 (READ-ONLY COPY).

The authoritative reference and input builder live on the scoring server;
editing this copy changes nothing except your own understanding.
"""

import jax, jax.numpy as jnp
import numpy as np

VOCAB = 1000000
EMBED_DIM = 64
NUM_CLASSES = 2
BATCH = 4096
SEQ = 200


def setup_inputs(seed: int = 0) -> dict:
    key = jax.random.key(seed)
    k_ids, k_emb, k_w, k_b = jax.random.split(key, 4)
    input_ids = jax.random.randint(k_ids, (BATCH, SEQ), 0, VOCAB, dtype=jnp.int64 if jax.config.jax_enable_x64 else jnp.int32)
    embed_table = jax.random.normal(k_emb, (VOCAB, EMBED_DIM), dtype=jnp.float32)
    W = jax.random.normal(k_w, (EMBED_DIM, NUM_CLASSES), dtype=jnp.float32) * (1.0 / np.sqrt(EMBED_DIM))
    b = jnp.zeros((NUM_CLASSES,), dtype=jnp.float32)
    return {"input_ids": input_ids, "embed_table": embed_table, "W": W, "b": b}


def reference(input_ids, embed_table, W, b):
    # nn.Embedding lookup -> gather rows
    embeddings = jnp.take(embed_table, input_ids, axis=0)  # [B, S, D]
    averaged = embeddings.mean(axis=1)                      # [B, D]
    output = averaged @ W + b                               # [B, C]
    return output

if __name__ == "__main__":
    import jax
    _d = setup_inputs()
    print(jax.jit(kernel)(*tuple(_d.values())))

</pallas_src>

<mosaic_0001>
#map = affine_map<(d0, d1) -> (0, 0)>
#map1 = affine_map<(d0, d1) -> (0)>
module attributes {stable_mosaic.version = 14 : i64} {
  func.func @gpool(%arg0: i32, %arg1: i32, %arg2: memref<200x4096xi32, #tpu.memory_space<hbm>>, %arg3: memref<1000000xf32, #tpu.memory_space<hbm>>, %arg4: memref<1000000xf32, #tpu.memory_space<hbm>>, %arg5: memref<2x4096xf32, #tpu.memory_space<hbm>>, %arg6: memref<200x128xi32, #tpu.memory_space<vmem>>, %arg7: memref<25600xf32, #tpu.memory_space<vmem>>, %arg8: memref<25600xf32, #tpu.memory_space<vmem>>, %arg9: memref<2x128xf32, #tpu.memory_space<vmem>>, %arg10: memref<!tpu.dma_semaphore, #tpu.memory_space<semaphore_mem>>) attributes {dimension_semantics = [#tpu.dimension_semantics<core_parallel>, #tpu.dimension_semantics<subcore_parallel>], iteration_bounds = array<i64: 2, 16>, scalar_prefetch = 0 : i64, scratch_operands = 5 : i64, tpu.core_type = #tpu.core_type<sc_vector_subcore>, window_params = [{transform_indices = #map}, {transform_indices = #map1}, {transform_indices = #map1}, {transform_indices = #map}]} {
    %mul3A = arith.constant 2 : i32
    %mul3A_0 = arith.muli %arg1, %mul3A : i32
    %add3A = arith.addi %mul3A_0, %arg0 : i32
    %mul3A_1 = arith.constant 128 : i32
    %mul3A_2 = arith.muli %add3A, %mul3A_1 : i32
    "tpu.region"() ({
      %run_scoped3A_176 = tpu.sem_alloc : memref<!tpu.dma_semaphore, #tpu.memory_space<semaphore_mem>>
      %dma_start3A = arith.constant 0 : i32
      %dma_start3A_177 = tpu.memref_slice %arg2[%dma_start3A, %mul3A_2] : memref<200x4096xi32, #tpu.memory_space<hbm>> -> memref<200x128xi32, #tpu.memory_space<hbm>>
      %dma_start3A_178 = arith.constant 0 : i32
      %dma_start3A_179 = tpu.memref_slice %arg2[%dma_start3A_178, %mul3A_2] : memref<200x4096xi32, #tpu.memory_space<hbm>> -> memref<200x128xi32, #tpu.memory_space<hbm>>
      tpu.enqueue_dma source(%dma_start3A_179 : memref<200x128xi32, #tpu.memory_space<hbm>>) target(%arg6 : memref<200x128xi32, #tpu.memory_space<vmem>>) target_semaphore(%run_scoped3A_176 : memref<!tpu.dma_semaphore, #tpu.memory_space<semaphore_mem>>)
      %dma_wait3A_180 = arith.constant 0 : i32
      %dma_wait3A_181 = tpu.memref_slice %arg2[%dma_wait3A_180, %mul3A_2] : memref<200x4096xi32, #tpu.memory_space<hbm>> -> memref<200x128xi32, #tpu.memory_space<hbm>>
      %dma_wait3A_182 = arith.constant 0 : i32
      %dma_wait3A_183 = tpu.memref_slice %arg2[%dma_wait3A_182, %mul3A_2] : memref<200x4096xi32, #tpu.memory_space<hbm>> -> memref<200x128xi32, #tpu.memory_space<hbm>>
      tpu.wait_dma2 semaphore(%run_scoped3A_176 : memref<!tpu.dma_semaphore, #tpu.memory_space<semaphore_mem>>) src(%dma_wait3A_183 : memref<200x128xi32, #tpu.memory_space<hbm>>) dst(%arg6 : memref<200x128xi32, #tpu.memory_space<vmem>>)
      tpu.yield
    }) : () -> ()
    %scan3A = arith.constant 0 : i32
    %scan3A_3 = arith.constant 0 : i32
    %scan3A_4 = arith.constant 200 : i32
    %scan3A_5 = arith.addi %scan3A_3, %scan3A_4 : i32
    %scan3A_6 = arith.constant 1 : i32
    scf.for %scan3A_176 = %scan3A_3 to %scan3A_5 step %scan3A_6  : i32 {
      %mul3A_177 = arith.constant 128 : i32
      %mul3A_178 = arith.muli %scan3A_176, %mul3A_177 : i32
      %dma_start3A = tpu.memref_slice %arg7[%mul3A_178] : memref<25600xf32, #tpu.memory_space<vmem>> -> memref<128xf32, #tpu.memory_space<vmem>>
      %dma_start3A_179 = arith.constant 0 : i32
      %dma_start3A_180 = tpu.memref_slice %arg6[%scan3A_176, %dma_start3A_179] : memref<200x128xi32, #tpu.memory_space<vmem>> -> memref<1x128xi32, #tpu.memory_space<vmem>>
      %dma_start3A_181 = tpu.memref_squeeze %dma_start3A_180 : memref<1x128xi32, #tpu.memory_space<vmem>> -> memref<128xi32, #tpu.memory_space<vmem>>
      %dma_start3A_182 = arith.constant 0 : i32
      %dma_start3A_183 = tpu.memref_slice %arg3[%dma_start3A_182] : memref<1000000xf32, #tpu.memory_space<hbm>> -> memref<1000000xf32, #tpu.memory_space<hbm>>
      tpu.enqueue_indirect_dma source(%dma_start3A_183 : memref<1000000xf32, #tpu.memory_space<hbm>>) target(%dma_start3A : memref<128xf32, #tpu.memory_space<vmem>>) offsets(%dma_start3A_181 : memref<128xi32, #tpu.memory_space<vmem>>) semaphore(%arg10 : memref<!tpu.dma_semaphore, #tpu.memory_space<semaphore_mem>>)
      %mul3A_184 = arith.constant 128 : i32
      %mul3A_185 = arith.muli %scan3A_176, %mul3A_184 : i32
      %dma_start3A_186 = tpu.memref_slice %arg8[%mul3A_185] : memref<25600xf32, #tpu.memory_space<vmem>> -> memref<128xf32, #tpu.memory_space<vmem>>
      %dma_start3A_187 = arith.constant 0 : i32
      %dma_start3A_188 = tpu.memref_slice %arg6[%scan3A_176, %dma_start3A_187] : memref<200x128xi32, #tpu.memory_space<vmem>> -> memref<1x128xi32, #tpu.memory_space<vmem>>
      %dma_start3A_189 = tpu.memref_squeeze %dma_start3A_188 : memref<1x128xi32, #tpu.memory_space<vmem>> -> memref<128xi32, #tpu.memory_space<vmem>>
      %dma_start3A_190 = arith.constant 0 : i32
      %dma_start3A_191 = tpu.memref_slice %arg4[%dma_start3A_190] : memref<1000000xf32, #tpu.memory_space<hbm>> -> memref<1000000xf32, #tpu.memory_space<hbm>>
      tpu.enqueue_indirect_dma source(%dma_start3A_191 : memref<1000000xf32, #tpu.memory_space<hbm>>) target(%dma_start3A_186 : memref<128xf32, #tpu.memory_space<vmem>>) offsets(%dma_start3A_189 : memref<128xi32, #tpu.memory_space<vmem>>) semaphore(%arg10 : memref<!tpu.dma_semaphore, #tpu.memory_space<semaphore_mem>>)
    }
    %scan3A_7 = arith.constant 200 : i32
    %dma_wait3A = arith.constant 0 : i32
    %dma_wait3A_8 = tpu.memref_slice %arg3[%dma_wait3A] : memref<1000000xf32, #tpu.memory_space<hbm>> -> memref<25600xf32, #tpu.memory_space<hbm>>
    %dma_wait3A_9 = arith.constant 0 : i32
    %dma_wait3A_10 = tpu.memref_slice %arg3[%dma_wait3A_9] : memref<1000000xf32, #tpu.memory_space<hbm>> -> memref<25600xf32, #tpu.memory_space<hbm>>
    tpu.wait_dma2 semaphore(%arg10 : memref<!tpu.dma_semaphore, #tpu.memory_space<semaphore_mem>>) src(%dma_wait3A_10 : memref<25600xf32, #tpu.memory_space<hbm>>) dst(%arg7 : memref<25600xf32, #tpu.memory_space<vmem>>)
    %dma_wait3A_11 = arith.constant 0 : i32
    %dma_wait3A_12 = tpu.memref_slice %arg4[%dma_wait3A_11] : memref<1000000xf32, #tpu.memory_space<hbm>> -> memref<25600xf32, #tpu.memory_space<hbm>>
    %dma_wait3A_13 = arith.constant 0 : i32
    %dma_wait3A_14 = tpu.memref_slice %arg4[%dma_wait3A_13] : memref<1000000xf32, #tpu.memory_space<hbm>> -> memref<25600xf32, #tpu.memory_space<hbm>>
    tpu.wait_dma2 semaphore(%arg10 : memref<!tpu.dma_semaphore, #tpu.memory_space<semaphore_mem>>) src(%dma_wait3A_14 : memref<25600xf32, #tpu.memory_space<hbm>>) dst(%arg8 : memref<25600xf32, #tpu.memory_space<vmem>>)
    %broadcast_in_dim3A = arith.constant 0.000000e+00 : f32
    %broadcast_in_dim3A_15 = vector.broadcast %broadcast_in_dim3A : f32 to vector<16xf32>
    %scan3A_16 = arith.constant 0 : i32
    %scan3A_17 = arith.constant 200 : i32
    %scan3A_18 = arith.addi %scan3A_16, %scan3A_17 : i32
    %scan3A_19 = arith.constant 1 : i32
    %scan3A_20:2 = scf.for %scan3A_176 = %scan3A_16 to %scan3A_18 step %scan3A_19 iter_args(%scan3A_177 = %broadcast_in_dim3A_15, %scan3A_178 = %broadcast_in_dim3A_15) -> (vector<16xf32>, vector<16xf32>)  : i32 {
      %mul3A_179 = arith.constant 128 : i32
      %mul3A_180 = arith.muli %scan3A_176, %mul3A_179 : i32
      %add3A_181 = arith.constant 0 : i32
      %add3A_182 = arith.addi %mul3A_180, %add3A_181 : i32
      %get3A = arith.index_cast %add3A_182 : i32 to index
      %get3A_183 = tpu.vector_load %arg7[%get3A] {strides = array<i32>} : memref<25600xf32, #tpu.memory_space<vmem>>, vector<16xf32>,
      %get3A_184 = vector.shape_cast %get3A_183 : vector<16xf32> to vector<16xf32>
      %add3A_185 = arith.addf %scan3A_177, %get3A_184 : vector<16xf32>
      %mul3A_186 = arith.constant 128 : i32
      %mul3A_187 = arith.muli %scan3A_176, %mul3A_186 : i32
      %add3A_188 = arith.constant 0 : i32
      %add3A_189 = arith.addi %mul3A_187, %add3A_188 : i32
      %get3A_190 = arith.index_cast %add3A_189 : i32 to index
      %get3A_191 = tpu.vector_load %arg8[%get3A_190] {strides = array<i32>} : memref<25600xf32, #tpu.memory_space<vmem>>, vector<16xf32>,
      %get3A_192 = vector.shape_cast %get3A_191 : vector<16xf32> to vector<16xf32>
      %add3A_193 = arith.addf %scan3A_178, %get3A_192 : vector<16xf32>
      scf.yield %add3A_185, %add3A_193 : vector<16xf32>, vector<16xf32>
    }
    %scan3A_21 = arith.constant 200 : i32
    %swap3A = arith.constant 0 : i32
    %swap3A_22 = arith.index_cast %swap3A : i32 to index
    %swap3A_23 = arith.constant 0 : index
    %swap3A_24 = tpu.vector_load %arg9[%swap3A_22, %swap3A_23] {strides = array<i32>} : memref<2x128xf32, #tpu.memory_space<vmem>>, vector<1x16xf32>,
    %swap3A_25 = vector.shape_cast %swap3A_24 : vector<1x16xf32> to vector<16xf32>
    %swap3A_26 = vector.shape_cast %scan3A_20#0 : vector<16xf32> to vector<1x16xf32>
    tpu.vector_store %arg9[%swap3A_22, %swap3A_23], %swap3A_26 {strides = array<i32>} : memref<2x128xf32, #tpu.memory_space<vmem>>, vector<1x16xf32>,
    %swap3A_27 = arith.constant 1 : i32
    %swap3A_28 = arith.index_cast %swap3A_27 : i32 to index
    %swap3A_29 = arith.constant 0 : index
    %swap3A_30 = tpu.vector_load %arg9[%swap3A_28, %swap3A_29] {strides = array<i32>} : memref<2x128xf32, #tpu.memory_space<vmem>>, vector<1x16xf32>,
    %swap3A_31 = vector.shape_cast %swap3A_30 : vector<1x16xf32> to vector<16xf32>
    %swap3A_32 = vector.shape_cast %scan3A_20#1 : vector<16xf32> to vector<1x16xf32>
    tpu.vector_store %arg9[%swap3A_28, %swap3A_29], %swap3A_32 {strides = array<i32>} : memref<2x128xf32, #tpu.memory_space<vmem>>, vector<1x16xf32>,
    %broadcast_in_dim3A_33 = arith.constant 0.000000e+00 : f32
    %broadcast_in_dim3A_34 = vector.broadcast %broadcast_in_dim3A_33 : f32 to vector<16xf32>
    %scan3A_35 = arith.constant 0 : i32
    %scan3A_36 = arith.constant 200 : i32
    %scan3A_37 = arith.addi %scan3A_35, %scan3A_36 : i32
    %scan3A_38 = arith.constant 1 : i32
    %scan3A_39:2 = scf.for %scan3A_176 = %scan3A_35 to %scan3A_37 step %scan3A_38 iter_args(%scan3A_177 = %broadcast_in_dim3A_34, %scan3A_178 = %broadcast_in_dim3A_34) -> (vector<16xf32>, vector<16xf32>)  : i32 {
      %mul3A_179 = arith.constant 128 : i32
      %mul3A_180 = arith.muli %scan3A_176, %mul3A_179 : i32
      %add3A_181 = arith.constant 16 : i32
      %add3A_182 = arith.addi %mul3A_180, %add3A_181 : i32
      %get3A = arith.index_cast %add3A_182 : i32 to index
      %get3A_183 = tpu.vector_load %arg7[%get3A] {strides = array<i32>} : memref<25600xf32, #tpu.memory_space<vmem>>, vector<16xf32>,
      %get3A_184 = vector.shape_cast %get3A_183 : vector<16xf32> to vector<16xf32>
      %add3A_185 = arith.addf %scan3A_177, %get3A_184 : vector<16xf32>
      %mul3A_186 = arith.constant 128 : i32
      %mul3A_187 = arith.muli %scan3A_176, %mul3A_186 : i32
      %add3A_188 = arith.constant 16 : i32
      %add3A_189 = arith.addi %mul3A_187, %add3A_188 : i32
      %get3A_190 = arith.index_cast %add3A_189 : i32 to index
      %get3A_191 = tpu.vector_load %arg8[%get3A_190] {strides = array<i32>} : memref<25600xf32, #tpu.memory_space<vmem>>, vector<16xf32>,
      %get3A_192 = vector.shape_cast %get3A_191 : vector<16xf32> to vector<16xf32>
      %add3A_193 = arith.addf %scan3A_178, %get3A_192 : vector<16xf32>
      scf.yield %add3A_185, %add3A_193 : vector<16xf32>, vector<16xf32>
    }
    %scan3A_40 = arith.constant 200 : i32
    %swap3A_41 = arith.constant 0 : i32
    %swap3A_42 = arith.index_cast %swap3A_41 : i32 to index
    %swap3A_43 = arith.constant 16 : index
    %swap3A_44 = tpu.vector_load %arg9[%swap3A_42, %swap3A_43] {strides = array<i32>} : memref<2x128xf32, #tpu.memory_space<vmem>>, vector<1x16xf32>,
    %swap3A_45 = vector.shape_cast %swap3A_44 : vector<1x16xf32> to vector<16xf32>
    %swap3A_46 = vector.shape_cast %scan3A_39#0 : vector<16xf32> to vector<1x16xf32>
    tpu.vector_store %arg9[%swap3A_42, %swap3A_43], %swap3A_46 {strides = array<i32>} : memref<2x128xf32, #tpu.memory_space<vmem>>, vector<1x16xf32>,
    %swap3A_47 = arith.constant 1 : i32
    %swap3A_48 = arith.index_cast %swap3A_47 : i32 to index
    %swap3A_49 = arith.constant 16 : index
    %swap3A_50 = tpu.vector_load %arg9[%swap3A_48, %swap3A_49] {strides = array<i32>} : memref<2x128xf32, #tpu.memory_space<vmem>>, vector<1x16xf32>,
    %swap3A_51 = vector.shape_cast %swap3A_50 : vector<1x16xf32> to vector<16xf32>
    %swap3A_52 = vector.shape_cast %scan3A_39#1 : vector<16xf32> to vector<1x16xf32>
    tpu.vector_store %arg9[%swap3A_48, %swap3A_49], %swap3A_52 {strides = array<i32>} : memref<2x128xf32, #tpu.memory_space<vmem>>, vector<1x16xf32>,
    %broadcast_in_dim3A_53 = arith.constant 0.000000e+00 : f32
    %broadcast_in_dim3A_54 = vector.broadcast %broadcast_in_dim3A_53 : f32 to vector<16xf32>
    %scan3A_55 = arith.constant 0 : i32
    %scan3A_56 = arith.constant 200 : i32
    %scan3A_57 = arith.addi %scan3A_55, %scan3A_56 : i32
    %scan3A_58 = arith.constant 1 : i32
    %scan3A_59:2 = scf.for %scan3A_176 = %scan3A_55 to %scan3A_57 step %scan3A_58 iter_args(%scan3A_177 = %broadcast_in_dim3A_54, %scan3A_178 = %broadcast_in_dim3A_54) -> (vector<16xf32>, vector<16xf32>)  : i32 {
      %mul3A_179 = arith.constant 128 : i32
      %mul3A_180 = arith.muli %scan3A_176, %mul3A_179 : i32
      %add3A_181 = arith.constant 32 : i32
      %add3A_182 = arith.addi %mul3A_180, %add3A_181 : i32
      %get3A = arith.index_cast %add3A_182 : i32 to index
      %get3A_183 = tpu.vector_load %arg7[%get3A] {strides = array<i32>} : memref<25600xf32, #tpu.memory_space<vmem>>, vector<16xf32>,
      %get3A_184 = vector.shape_cast %get3A_183 : vector<16xf32> to vector<16xf32>
      %add3A_185 = arith.addf %scan3A_177, %get3A_184 : vector<16xf32>
      %mul3A_186 = arith.constant 128 : i32
      %mul3A_187 = arith.muli %scan3A_176, %mul3A_186 : i32
      %add3A_188 = arith.constant 32 : i32
      %add3A_189 = arith.addi %mul3A_187, %add3A_188 : i32
      %get3A_190 = arith.index_cast %add3A_189 : i32 to index
      %get3A_191 = tpu.vector_load %arg8[%get3A_190] {strides = array<i32>} : memref<25600xf32, #tpu.memory_space<vmem>>, vector<16xf32>,
      %get3A_192 = vector.shape_cast %get3A_191 : vector<16xf32> to vector<16xf32>
      %add3A_193 = arith.addf %scan3A_178, %get3A_192 : vector<16xf32>
      scf.yield %add3A_185, %add3A_193 : vector<16xf32>, vector<16xf32>
    }
    %scan3A_60 = arith.constant 200 : i32
    %swap3A_61 = arith.constant 0 : i32
    %swap3A_62 = arith.index_cast %swap3A_61 : i32 to index
    %swap3A_63 = arith.constant 32 : index
    %swap3A_64 = tpu.vector_load %arg9[%swap3A_62, %swap3A_63] {strides = array<i32>} : memref<2x128xf32, #tpu.memory_space<vmem>>, vector<1x16xf32>,
    %swap3A_65 = vector.shape_cast %swap3A_64 : vector<1x16xf32> to vector<16xf32>
    %swap3A_66 = vector.shape_cast %scan3A_59#0 : vector<16xf32> to vector<1x16xf32>
    tpu.vector_store %arg9[%swap3A_62, %swap3A_63], %swap3A_66 {strides = array<i32>} : memref<2x128xf32, #tpu.memory_space<vmem>>, vector<1x16xf32>,
    %swap3A_67 = arith.constant 1 : i32
    %swap3A_68 = arith.index_cast %swap3A_67 : i32 to index
    %swap3A_69 = arith.constant 32 : index
    %swap3A_70 = tpu.vector_load %arg9[%swap3A_68, %swap3A_69] {strides = array<i32>} : memref<2x128xf32, #tpu.memory_space<vmem>>, vector<1x16xf32>,
    %swap3A_71 = vector.shape_cast %swap3A_70 : vector<1x16xf32> to vector<16xf32>
    %swap3A_72 = vector.shape_cast %scan3A_59#1 : vector<16xf32> to vector<1x16xf32>
    tpu.vector_store %arg9[%swap3A_68, %swap3A_69], %swap3A_72 {strides = array<i32>} : memref<2x128xf32, #tpu.memory_space<vmem>>, vector<1x16xf32>,
    %broadcast_in_dim3A_73 = arith.constant 0.000000e+00 : f32
    %broadcast_in_dim3A_74 = vector.broadcast %broadcast_in_dim3A_73 : f32 to vector<16xf32>
    %scan3A_75 = arith.constant 0 : i32
    %scan3A_76 = arith.constant 200 : i32
    %scan3A_77 = arith.addi %scan3A_75, %scan3A_76 : i32
    %scan3A_78 = arith.constant 1 : i32
    %scan3A_79:2 = scf.for %scan3A_176 = %scan3A_75 to %scan3A_77 step %scan3A_78 iter_args(%scan3A_177 = %broadcast_in_dim3A_74, %scan3A_178 = %broadcast_in_dim3A_74) -> (vector<16xf32>, vector<16xf32>)  : i32 {
      %mul3A_179 = arith.constant 128 : i32
      %mul3A_180 = arith.muli %scan3A_176, %mul3A_179 : i32
      %add3A_181 = arith.constant 48 : i32
      %add3A_182 = arith.addi %mul3A_180, %add3A_181 : i32
      %get3A = arith.index_cast %add3A_182 : i32 to index
      %get3A_183 = tpu.vector_load %arg7[%get3A] {strides = array<i32>} : memref<25600xf32, #tpu.memory_space<vmem>>, vector<16xf32>,
      %get3A_184 = vector.shape_cast %get3A_183 : vector<16xf32> to vector<16xf32>
      %add3A_185 = arith.addf %scan3A_177, %get3A_184 : vector<16xf32>
      %mul3A_186 = arith.constant 128 : i32
      %mul3A_187 = arith.muli %scan3A_176, %mul3A_186 : i32
      %add3A_188 = arith.constant 48 : i32
      %add3A_189 = arith.addi %mul3A_187, %add3A_188 : i32
      %get3A_190 = arith.index_cast %add3A_189 : i32 to index
      %get3A_191 = tpu.vector_load %arg8[%get3A_190] {strides = array<i32>} : memref<25600xf32, #tpu.memory_space<vmem>>, vector<16xf32>,
      %get3A_192 = vector.shape_cast %get3A_191 : vector<16xf32> to vector<16xf32>
      %add3A_193 = arith.addf %scan3A_178, %get3A_192 : vector<16xf32>
      scf.yield %add3A_185, %add3A_193 : vector<16xf32>, vector<16xf32>
    }
    %scan3A_80 = arith.constant 200 : i32
    %swap3A_81 = arith.constant 0 : i32
    %swap3A_82 = arith.index_cast %swap3A_81 : i32 to index
    %swap3A_83 = arith.constant 48 : index
    %swap3A_84 = tpu.vector_load %arg9[%swap3A_82, %swap3A_83] {strides = array<i32>} : memref<2x128xf32, #tpu.memory_space<vmem>>, vector<1x16xf32>,
    %swap3A_85 = vector.shape_cast %swap3A_84 : vector<1x16xf32> to vector<16xf32>
    %swap3A_86 = vector.shape_cast %scan3A_79#0 : vector<16xf32> to vector<1x16xf32>
    tpu.vector_store %arg9[%swap3A_82, %swap3A_83], %swap3A_86 {strides = array<i32>} : memref<2x128xf32, #tpu.memory_space<vmem>>, vector<1x16xf32>,
    %swap3A_87 = arith.constant 1 : i32
    %swap3A_88 = arith.index_cast %swap3A_87 : i32 to index
    %swap3A_89 = arith.constant 48 : index
    %swap3A_90 = tpu.vector_load %arg9[%swap3A_88, %swap3A_89] {strides = array<i32>} : memref<2x128xf32, #tpu.memory_space<vmem>>, vector<1x16xf32>,
    %swap3A_91 = vector.shape_cast %swap3A_90 : vector<1x16xf32> to vector<16xf32>
    %swap3A_92 = vector.shape_cast %scan3A_79#1 : vector<16xf32> to vector<1x16xf32>
    tpu.vector_store %arg9[%swap3A_88, %swap3A_89], %swap3A_92 {strides = array<i32>} : memref<2x128xf32, #tpu.memory_space<vmem>>, vector<1x16xf32>,
    %broadcast_in_dim3A_93 = arith.constant 0.000000e+00 : f32
    %broadcast_in_dim3A_94 = vector.broadcast %broadcast_in_dim3A_93 : f32 to vector<16xf32>
    %scan3A_95 = arith.constant 0 : i32
    %scan3A_96 = arith.constant 200 : i32
    %scan3A_97 = arith.addi %scan3A_95, %scan3A_96 : i32
    %scan3A_98 = arith.constant 1 : i32
    %scan3A_99:2 = scf.for %scan3A_176 = %scan3A_95 to %scan3A_97 step %scan3A_98 iter_args(%scan3A_177 = %broadcast_in_dim3A_94, %scan3A_178 = %broadcast_in_dim3A_94) -> (vector<16xf32>, vector<16xf32>)  : i32 {
      %mul3A_179 = arith.constant 128 : i32
      %mul3A_180 = arith.muli %scan3A_176, %mul3A_179 : i32
      %add3A_181 = arith.constant 64 : i32
      %add3A_182 = arith.addi %mul3A_180, %add3A_181 : i32
      %get3A = arith.index_cast %add3A_182 : i32 to index
      %get3A_183 = tpu.vector_load %arg7[%get3A] {strides = array<i32>} : memref<25600xf32, #tpu.memory_space<vmem>>, vector<16xf32>,
      %get3A_184 = vector.shape_cast %get3A_183 : vector<16xf32> to vector<16xf32>
      %add3A_185 = arith.addf %scan3A_177, %get3A_184 : vector<16xf32>
      %mul3A_186 = arith.constant 128 : i32
      %mul3A_187 = arith.muli %scan3A_176, %mul3A_186 : i32
      %add3A_188 = arith.constant 64 : i32
      %add3A_189 = arith.addi %mul3A_187, %add3A_188 : i32
      %get3A_190 = arith.index_cast %add3A_189 : i32 to index
      %get3A_191 = tpu.vector_load %arg8[%get3A_190] {strides = array<i32>} : memref<25600xf32, #tpu.memory_space<vmem>>, vector<16xf32>,
      %get3A_192 = vector.shape_cast %get3A_191 : vector<16xf32> to vector<16xf32>
      %add3A_193 = arith.addf %scan3A_178, %get3A_192 : vector<16xf32>
      scf.yield %add3A_185, %add3A_193 : vector<16xf32>, vector<16xf32>
    }
    %scan3A_100 = arith.constant 200 : i32
    %swap3A_101 = arith.constant 0 : i32
    %swap3A_102 = arith.index_cast %swap3A_101 : i32 to index
    %swap3A_103 = arith.constant 64 : index
    %swap3A_104 = tpu.vector_load %arg9[%swap3A_102, %swap3A_103] {strides = array<i32>} : memref<2x128xf32, #tpu.memory_space<vmem>>, vector<1x16xf32>,
    %swap3A_105 = vector.shape_cast %swap3A_104 : vector<1x16xf32> to vector<16xf32>
    %swap3A_106 = vector.shape_cast %scan3A_99#0 : vector<16xf32> to vector<1x16xf32>
    tpu.vector_store %arg9[%swap3A_102, %swap3A_103], %swap3A_106 {strides = array<i32>} : memref<2x128xf32, #tpu.memory_space<vmem>>, vector<1x16xf32>,
    %swap3A_107 = arith.constant 1 : i32
    %swap3A_108 = arith.index_cast %swap3A_107 : i32 to index
    %swap3A_109 = arith.constant 64 : index
    %swap3A_110 = tpu.vector_load %arg9[%swap3A_108, %swap3A_109] {strides = array<i32>} : memref<2x128xf32, #tpu.memory_space<vmem>>, vector<1x16xf32>,
    %swap3A_111 = vector.shape_cast %swap3A_110 : vector<1x16xf32> to vector<16xf32>
    %swap3A_112 = vector.shape_cast %scan3A_99#1 : vector<16xf32> to vector<1x16xf32>
    tpu.vector_store %arg9[%swap3A_108, %swap3A_109], %swap3A_112 {strides = array<i32>} : memref<2x128xf32, #tpu.memory_space<vmem>>, vector<1x16xf32>,
    %broadcast_in_dim3A_113 = arith.constant 0.000000e+00 : f32
    %broadcast_in_dim3A_114 = vector.broadcast %broadcast_in_dim3A_113 : f32 to vector<16xf32>
    %scan3A_115 = arith.constant 0 : i32
    %scan3A_116 = arith.constant 200 : i32
    %scan3A_117 = arith.addi %scan3A_115, %scan3A_116 : i32
    %scan3A_118 = arith.constant 1 : i32
    %scan3A_119:2 = scf.for %scan3A_176 = %scan3A_115 to %scan3A_117 step %scan3A_118 iter_args(%scan3A_177 = %broadcast_in_dim3A_114, %scan3A_178 = %broadcast_in_dim3A_114) -> (vector<16xf32>, vector<16xf32>)  : i32 {
      %mul3A_179 = arith.constant 128 : i32
      %mul3A_180 = arith.muli %scan3A_176, %mul3A_179 : i32
      %add3A_181 = arith.constant 80 : i32
      %add3A_182 = arith.addi %mul3A_180, %add3A_181 : i32
      %get3A = arith.index_cast %add3A_182 : i32 to index
      %get3A_183 = tpu.vector_load %arg7[%get3A] {strides = array<i32>} : memref<25600xf32, #tpu.memory_space<vmem>>, vector<16xf32>,
      %get3A_184 = vector.shape_cast %get3A_183 : vector<16xf32> to vector<16xf32>
      %add3A_185 = arith.addf %scan3A_177, %get3A_184 : vector<16xf32>
      %mul3A_186 = arith.constant 128 : i32
      %mul3A_187 = arith.muli %scan3A_176, %mul3A_186 : i32
      %add3A_188 = arith.constant 80 : i32
      %add3A_189 = arith.addi %mul3A_187, %add3A_188 : i32
      %get3A_190 = arith.index_cast %add3A_189 : i32 to index
      %get3A_191 = tpu.vector_load %arg8[%get3A_190] {strides = array<i32>} : memref<25600xf32, #tpu.memory_space<vmem>>, vector<16xf32>,
      %get3A_192 = vector.shape_cast %get3A_191 : vector<16xf32> to vector<16xf32>
      %add3A_193 = arith.addf %scan3A_178, %get3A_192 : vector<16xf32>
      scf.yield %add3A_185, %add3A_193 : vector<16xf32>, vector<16xf32>
    }
    %scan3A_120 = arith.constant 200 : i32
    %swap3A_121 = arith.constant 0 : i32
    %swap3A_122 = arith.index_cast %swap3A_121 : i32 to index
    %swap3A_123 = arith.constant 80 : index
    %swap3A_124 = tpu.vector_load %arg9[%swap3A_122, %swap3A_123] {strides = array<i32>} : memref<2x128xf32, #tpu.memory_space<vmem>>, vector<1x16xf32>,
    %swap3A_125 = vector.shape_cast %swap3A_124 : vector<1x16xf32> to vector<16xf32>
    %swap3A_126 = vector.shape_cast %scan3A_119#0 : vector<16xf32> to vector<1x16xf32>
    tpu.vector_store %arg9[%swap3A_122, %swap3A_123], %swap3A_126 {strides = array<i32>} : memref<2x128xf32, #tpu.memory_space<vmem>>, vector<1x16xf32>,
    %swap3A_127 = arith.constant 1 : i32
    %swap3A_128 = arith.index_cast %swap3A_127 : i32 to index
    %swap3A_129 = arith.constant 80 : index
    %swap3A_130 = tpu.vector_load %arg9[%swap3A_128, %swap3A_129] {strides = array<i32>} : memref<2x128xf32, #tpu.memory_space<vmem>>, vector<1x16xf32>,
    %swap3A_131 = vector.shape_cast %swap3A_130 : vector<1x16xf32> to vector<16xf32>
    %swap3A_132 = vector.shape_cast %scan3A_119#1 : vector<16xf32> to vector<1x16xf32>
    tpu.vector_store %arg9[%swap3A_128, %swap3A_129], %swap3A_132 {strides = array<i32>} : memref<2x128xf32, #tpu.memory_space<vmem>>, vector<1x16xf32>,
    %broadcast_in_dim3A_133 = arith.constant 0.000000e+00 : f32
    %broadcast_in_dim3A_134 = vector.broadcast %broadcast_in_dim3A_133 : f32 to vector<16xf32>
    %scan3A_135 = arith.constant 0 : i32
    %scan3A_136 = arith.constant 200 : i32
    %scan3A_137 = arith.addi %scan3A_135, %scan3A_136 : i32
    %scan3A_138 = arith.constant 1 : i32
    %scan3A_139:2 = scf.for %scan3A_176 = %scan3A_135 to %scan3A_137 step %scan3A_138 iter_args(%scan3A_177 = %broadcast_in_dim3A_134, %scan3A_178 = %broadcast_in_dim3A_134) -> (vector<16xf32>, vector<16xf32>)  : i32 {
      %mul3A_179 = arith.constant 128 : i32
      %mul3A_180 = arith.muli %scan3A_176, %mul3A_179 : i32
      %add3A_181 = arith.constant 96 : i32
      %add3A_182 = arith.addi %mul3A_180, %add3A_181 : i32
      %get3A = arith.index_cast %add3A_182 : i32 to index
      %get3A_183 = tpu.vector_load %arg7[%get3A] {strides = array<i32>} : memref<25600xf32, #tpu.memory_space<vmem>>, vector<16xf32>,
      %get3A_184 = vector.shape_cast %get3A_183 : vector<16xf32> to vector<16xf32>
      %add3A_185 = arith.addf %scan3A_177, %get3A_184 : vector<16xf32>
      %mul3A_186 = arith.constant 128 : i32
      %mul3A_187 = arith.muli %scan3A_176, %mul3A_186 : i32
      %add3A_188 = arith.constant 96 : i32
      %add3A_189 = arith.addi %mul3A_187, %add3A_188 : i32
      %get3A_190 = arith.index_cast %add3A_189 : i32 to index
      %get3A_191 = tpu.vector_load %arg8[%get3A_190] {strides = array<i32>} : memref<25600xf32, #tpu.memory_space<vmem>>, vector<16xf32>,
      %get3A_192 = vector.shape_cast %get3A_191 : vector<16xf32> to vector<16xf32>
      %add3A_193 = arith.addf %scan3A_178, %get3A_192 : vector<16xf32>
      scf.yield %add3A_185, %add3A_193 : vector<16xf32>, vector<16xf32>
    }
    %scan3A_140 = arith.constant 200 : i32
    %swap3A_141 = arith.constant 0 : i32
    %swap3A_142 = arith.index_cast %swap3A_141 : i32 to index
    %swap3A_143 = arith.constant 96 : index
    %swap3A_144 = tpu.vector_load %arg9[%swap3A_142, %swap3A_143] {strides = array<i32>} : memref<2x128xf32, #tpu.memory_space<vmem>>, vector<1x16xf32>,
    %swap3A_145 = vector.shape_cast %swap3A_144 : vector<1x16xf32> to vector<16xf32>
    %swap3A_146 = vector.shape_cast %scan3A_139#0 : vector<16xf32> to vector<1x16xf32>
    tpu.vector_store %arg9[%swap3A_142, %swap3A_143], %swap3A_146 {strides = array<i32>} : memref<2x128xf32, #tpu.memory_space<vmem>>, vector<1x16xf32>,
    %swap3A_147 = arith.constant 1 : i32
    %swap3A_148 = arith.index_cast %swap3A_147 : i32 to index
    %swap3A_149 = arith.constant 96 : index
    %swap3A_150 = tpu.vector_load %arg9[%swap3A_148, %swap3A_149] {strides = array<i32>} : memref<2x128xf32, #tpu.memory_space<vmem>>, vector<1x16xf32>,
    %swap3A_151 = vector.shape_cast %swap3A_150 : vector<1x16xf32> to vector<16xf32>
    %swap3A_152 = vector.shape_cast %scan3A_139#1 : vector<16xf32> to vector<1x16xf32>
    tpu.vector_store %arg9[%swap3A_148, %swap3A_149], %swap3A_152 {strides = array<i32>} : memref<2x128xf32, #tpu.memory_space<vmem>>, vector<1x16xf32>,
    %broadcast_in_dim3A_153 = arith.constant 0.000000e+00 : f32
    %broadcast_in_dim3A_154 = vector.broadcast %broadcast_in_dim3A_153 : f32 to vector<16xf32>
    %scan3A_155 = arith.constant 0 : i32
    %scan3A_156 = arith.constant 200 : i32
    %scan3A_157 = arith.addi %scan3A_155, %scan3A_156 : i32
    %scan3A_158 = arith.constant 1 : i32
    %scan3A_159:2 = scf.for %scan3A_176 = %scan3A_155 to %scan3A_157 step %scan3A_158 iter_args(%scan3A_177 = %broadcast_in_dim3A_154, %scan3A_178 = %broadcast_in_dim3A_154) -> (vector<16xf32>, vector<16xf32>)  : i32 {
      %mul3A_179 = arith.constant 128 : i32
      %mul3A_180 = arith.muli %scan3A_176, %mul3A_179 : i32
      %add3A_181 = arith.constant 112 : i32
      %add3A_182 = arith.addi %mul3A_180, %add3A_181 : i32
      %get3A = arith.index_cast %add3A_182 : i32 to index
      %get3A_183 = tpu.vector_load %arg7[%get3A] {strides = array<i32>} : memref<25600xf32, #tpu.memory_space<vmem>>, vector<16xf32>,
      %get3A_184 = vector.shape_cast %get3A_183 : vector<16xf32> to vector<16xf32>
      %add3A_185 = arith.addf %scan3A_177, %get3A_184 : vector<16xf32>
      %mul3A_186 = arith.constant 128 : i32
      %mul3A_187 = arith.muli %scan3A_176, %mul3A_186 : i32
      %add3A_188 = arith.constant 112 : i32
      %add3A_189 = arith.addi %mul3A_187, %add3A_188 : i32
      %get3A_190 = arith.index_cast %add3A_189 : i32 to index
      %get3A_191 = tpu.vector_load %arg8[%get3A_190] {strides = array<i32>} : memref<25600xf32, #tpu.memory_space<vmem>>, vector<16xf32>,
      %get3A_192 = vector.shape_cast %get3A_191 : vector<16xf32> to vector<16xf32>
      %add3A_193 = arith.addf %scan3A_178, %get3A_192 : vector<16xf32>
      scf.yield %add3A_185, %add3A_193 : vector<16xf32>, vector<16xf32>
    }
    %scan3A_160 = arith.constant 200 : i32
    %swap3A_161 = arith.constant 0 : i32
    %swap3A_162 = arith.index_cast %swap3A_161 : i32 to index
    %swap3A_163 = arith.constant 112 : index
    %swap3A_164 = tpu.vector_load %arg9[%swap3A_162, %swap3A_163] {strides = array<i32>} : memref<2x128xf32, #tpu.memory_space<vmem>>, vector<1x16xf32>,
    %swap3A_165 = vector.shape_cast %swap3A_164 : vector<1x16xf32> to vector<16xf32>
    %swap3A_166 = vector.shape_cast %scan3A_159#0 : vector<16xf32> to vector<1x16xf32>
    tpu.vector_store %arg9[%swap3A_162, %swap3A_163], %swap3A_166 {strides = array<i32>} : memref<2x128xf32, #tpu.memory_space<vmem>>, vector<1x16xf32>,
    %swap3A_167 = arith.constant 1 : i32
    %swap3A_168 = arith.index_cast %swap3A_167 : i32 to index
    %swap3A_169 = arith.constant 112 : index
    %swap3A_170 = tpu.vector_load %arg9[%swap3A_168, %swap3A_169] {strides = array<i32>} : memref<2x128xf32, #tpu.memory_space<vmem>>, vector<1x16xf32>,
    %swap3A_171 = vector.shape_cast %swap3A_170 : vector<1x16xf32> to vector<16xf32>
    %swap3A_172 = vector.shape_cast %scan3A_159#1 : vector<16xf32> to vector<1x16xf32>
    tpu.vector_store %arg9[%swap3A_168, %swap3A_169], %swap3A_172 {strides = array<i32>} : memref<2x128xf32, #tpu.memory_space<vmem>>, vector<1x16xf32>,
    %run_scoped3A = arith.constant 0 : i32
    %run_scoped3A_173 = arith.constant 0 : i32
    "tpu.region"() ({
      %run_scoped3A_176 = tpu.sem_alloc : memref<!tpu.dma_semaphore, #tpu.memory_space<semaphore_mem>>
      %dma_start3A = arith.constant 0 : i32
      %dma_start3A_177 = tpu.memref_slice %arg9[%run_scoped3A, %dma_start3A] : memref<2x128xf32, #tpu.memory_space<vmem>> -> memref<1x128xf32, #tpu.memory_space<vmem>>
      %dma_start3A_178 = tpu.memref_squeeze %dma_start3A_177 : memref<1x128xf32, #tpu.memory_space<vmem>> -> memref<128xf32, #tpu.memory_space<vmem>>
      %dma_start3A_179 = tpu.memref_slice %arg5[%run_scoped3A_173, %mul3A_2] : memref<2x4096xf32, #tpu.memory_space<hbm>> -> memref<1x128xf32, #tpu.memory_space<hbm>>
      %dma_start3A_180 = tpu.memref_squeeze %dma_start3A_179 : memref<1x128xf32, #tpu.memory_space<hbm>> -> memref<128xf32, #tpu.memory_space<hbm>>
      %dma_start3A_181 = tpu.memref_slice %arg5[%run_scoped3A_173, %mul3A_2] : memref<2x4096xf32, #tpu.memory_space<hbm>> -> memref<1x128xf32, #tpu.memory_space<hbm>>
      %dma_start3A_182 = tpu.memref_squeeze %dma_start3A_181 : memref<1x128xf32, #tpu.memory_space<hbm>> -> memref<128xf32, #tpu.memory_space<hbm>>
      %dma_start3A_183 = arith.constant 0 : i32
      %dma_start3A_184 = tpu.memref_slice %arg9[%run_scoped3A, %dma_start3A_183] : memref<2x128xf32, #tpu.memory_space<vmem>> -> memref<1x128xf32, #tpu.memory_space<vmem>>
      %dma_start3A_185 = tpu.memref_squeeze %dma_start3A_184 : memref<1x128xf32, #tpu.memory_space<vmem>> -> memref<128xf32, #tpu.memory_space<vmem>>
      tpu.enqueue_dma source(%dma_start3A_185 : memref<128xf32, #tpu.memory_space<vmem>>) target(%dma_start3A_182 : memref<128xf32, #tpu.memory_space<hbm>>) target_semaphore(%run_scoped3A_176 : memref<!tpu.dma_semaphore, #tpu.memory_space<semaphore_mem>>)
      %dma_wait3A_186 = arith.constant 0 : i32
      %dma_wait3A_187 = tpu.memref_slice %arg9[%run_scoped3A, %dma_wait3A_186] : memref<2x128xf32, #tpu.memory_space<vmem>> -> memref<1x128xf32, #tpu.memory_space<vmem>>
      %dma_wait3A_188 = tpu.memref_squeeze %dma_wait3A_187 : memref<1x128xf32, #tpu.memory_space<vmem>> -> memref<128xf32, #tpu.memory_space<vmem>>
      %dma_wait3A_189 = tpu.memref_slice %arg5[%run_scoped3A_173, %mul3A_2] : memref<2x4096xf32, #tpu.memory_space<hbm>> -> memref<1x128xf32, #tpu.memory_space<hbm>>
      %dma_wait3A_190 = tpu.memref_squeeze %dma_wait3A_189 : memref<1x128xf32, #tpu.memory_space<hbm>> -> memref<128xf32, #tpu.memory_space<hbm>>
      %dma_wait3A_191 = tpu.memref_slice %arg5[%run_scoped3A_173, %mul3A_2] : memref<2x4096xf32, #tpu.memory_space<hbm>> -> memref<1x128xf32, #tpu.memory_space<hbm>>
      %dma_wait3A_192 = tpu.memref_squeeze %dma_wait3A_191 : memref<1x128xf32, #tpu.memory_space<hbm>> -> memref<128xf32, #tpu.memory_space<hbm>>
      %dma_wait3A_193 = arith.constant 0 : i32
      %dma_wait3A_194 = tpu.memref_slice %arg9[%run_scoped3A, %dma_wait3A_193] : memref<2x128xf32, #tpu.memory_space<vmem>> -> memref<1x128xf32, #tpu.memory_space<vmem>>
      %dma_wait3A_195 = tpu.memref_squeeze %dma_wait3A_194 : memref<1x128xf32, #tpu.memory_space<vmem>> -> memref<128xf32, #tpu.memory_space<vmem>>
      tpu.wait_dma2 semaphore(%run_scoped3A_176 : memref<!tpu.dma_semaphore, #tpu.memory_space<semaphore_mem>>) src(%dma_wait3A_195 : memref<128xf32, #tpu.memory_space<vmem>>) dst(%dma_wait3A_192 : memref<128xf32, #tpu.memory_space<hbm>>)
      tpu.yield
    }) : () -> ()
    %run_scoped3A_174 = arith.constant 1 : i32
    %run_scoped3A_175 = arith.constant 1 : i32
    "tpu.region"() ({
      %run_scoped3A_176 = tpu.sem_alloc : memref<!tpu.dma_semaphore, #tpu.memory_space<semaphore_mem>>
      %dma_start3A = arith.constant 0 : i32
      %dma_start3A_177 = tpu.memref_slice %arg9[%run_scoped3A_174, %dma_start3A] : memref<2x128xf32, #tpu.memory_space<vmem>> -> memref<1x128xf32, #tpu.memory_space<vmem>>
      %dma_start3A_178 = tpu.memref_squeeze %dma_start3A_177 : memref<1x128xf32, #tpu.memory_space<vmem>> -> memref<128xf32, #tpu.memory_space<vmem>>
      %dma_start3A_179 = tpu.memref_slice %arg5[%run_scoped3A_175, %mul3A_2] : memref<2x4096xf32, #tpu.memory_space<hbm>> -> memref<1x128xf32, #tpu.memory_space<hbm>>
      %dma_start3A_180 = tpu.memref_squeeze %dma_start3A_179 : memref<1x128xf32, #tpu.memory_space<hbm>> -> memref<128xf32, #tpu.memory_space<hbm>>
      %dma_start3A_181 = tpu.memref_slice %arg5[%run_scoped3A_175, %mul3A_2] : memref<2x4096xf32, #tpu.memory_space<hbm>> -> memref<1x128xf32, #tpu.memory_space<hbm>>
      %dma_start3A_182 = tpu.memref_squeeze %dma_start3A_181 : memref<1x128xf32, #tpu.memory_space<hbm>> -> memref<128xf32, #tpu.memory_space<hbm>>
      %dma_start3A_183 = arith.constant 0 : i32
      %dma_start3A_184 = tpu.memref_slice %arg9[%run_scoped3A_174, %dma_start3A_183] : memref<2x128xf32, #tpu.memory_space<vmem>> -> memref<1x128xf32, #tpu.memory_space<vmem>>
      %dma_start3A_185 = tpu.memref_squeeze %dma_start3A_184 : memref<1x128xf32, #tpu.memory_space<vmem>> -> memref<128xf32, #tpu.memory_space<vmem>>
      tpu.enqueue_dma source(%dma_start3A_185 : memref<128xf32, #tpu.memory_space<vmem>>) target(%dma_start3A_182 : memref<128xf32, #tpu.memory_space<hbm>>) target_semaphore(%run_scoped3A_176 : memref<!tpu.dma_semaphore, #tpu.memory_space<semaphore_mem>>)
      %dma_wait3A_186 = arith.constant 0 : i32
      %dma_wait3A_187 = tpu.memref_slice %arg9[%run_scoped3A_174, %dma_wait3A_186] : memref<2x128xf32, #tpu.memory_space<vmem>> -> memref<1x128xf32, #tpu.memory_space<vmem>>
      %dma_wait3A_188 = tpu.memref_squeeze %dma_wait3A_187 : memref<1x128xf32, #tpu.memory_space<vmem>> -> memref<128xf32, #tpu.memory_space<vmem>>
      %dma_wait3A_189 = tpu.memref_slice %arg5[%run_scoped3A_175, %mul3A_2] : memref<2x4096xf32, #tpu.memory_space<hbm>> -> memref<1x128xf32, #tpu.memory_space<hbm>>
      %dma_wait3A_190 = tpu.memref_squeeze %dma_wait3A_189 : memref<1x128xf32, #tpu.memory_space<hbm>> -> memref<128xf32, #tpu.memory_space<hbm>>
      %dma_wait3A_191 = tpu.memref_slice %arg5[%run_scoped3A_175, %mul3A_2] : memref<2x4096xf32, #tpu.memory_space<hbm>> -> memref<1x128xf32, #tpu.memory_space<hbm>>
      %dma_wait3A_192 = tpu.memref_squeeze %dma_wait3A_191 : memref<1x128xf32, #tpu.memory_space<hbm>> -> memref<128xf32, #tpu.memory_space<hbm>>
      %dma_wait3A_193 = arith.constant 0 : i32
      %dma_wait3A_194 = tpu.memref_slice %arg9[%run_scoped3A_174, %dma_wait3A_193] : memref<2x128xf32, #tpu.memory_space<vmem>> -> memref<1x128xf32, #tpu.memory_space<vmem>>
      %dma_wait3A_195 = tpu.memref_squeeze %dma_wait3A_194 : memref<1x128xf32, #tpu.memory_space<vmem>> -> memref<128xf32, #tpu.memory_space<vmem>>
      tpu.wait_dma2 semaphore(%run_scoped3A_176 : memref<!tpu.dma_semaphore, #tpu.memory_space<semaphore_mem>>) src(%dma_wait3A_195 : memref<128xf32, #tpu.memory_space<vmem>>) dst(%dma_wait3A_192 : memref<128xf32, #tpu.memory_space<hbm>>)
      tpu.yield
    }) : () -> ()
    return
  }
}

module attributes {stable_mosaic.version = 14 : i64} {
  func.func @proj(%arg0: i32, %arg1: memref<64x16384xf32, #tpu.memory_space<vmem>>, %arg2: memref<2x64xf32, #tpu.memory_space<vmem>>, %arg3: memref<2x1xf32, #tpu.memory_space<vmem>>, %arg4: memref<16384xf32, #tpu.memory_space<vmem>>, %arg5: memref<16384xf32, #tpu.memory_space<vmem>>) attributes {dimension_semantics = [#tpu.dimension_semantics<arbitrary>], iteration_bounds = array<i64: 62>, scalar_prefetch = 0 : i64, scratch_operands = 0 : i64, tpu.core_type = #tpu.core_type<tc>, window_params = [{transform_indices = @transform_0, window_bounds = array<i64: 64, 16384>}, {pipeline_mode = #tpu.pipeline_mode<synchronous>, transform_indices = @transform_1, window_bounds = array<i64: 2, 64>}, {pipeline_mode = #tpu.pipeline_mode<synchronous>, transform_indices = @transform_2, window_bounds = array<i64: 2, 1>}, {transform_indices = @transform_3, window_bounds = array<i64: 16384>}, {transform_indices = @transform_4, window_bounds = array<i64: 16384>}]} {
    %get3A = arith.constant 0 : index
    %get3A_0 = arith.constant 0 : index
    %get3A_1 = vector.load %arg2[%get3A, %get3A_0] : memref<2x64xf32, #tpu.memory_space<vmem>>, vector<2x64xf32>
    %get3A_2 = arith.constant 0 : index
    %get3A_3 = arith.constant 0 : index
    %get3A_4 = vector.load %arg1[%get3A_2, %get3A_3] : memref<64x16384xf32, #tpu.memory_space<vmem>>, vector<64x16384xf32>
    %dot_general3A = arith.constant dense<0.000000e+00> : vector<2x16384xf32>
    %dot_general3A_5 = tpu.matmul %get3A_1, %get3A_4, %dot_general3A {dimension_numbers = #tpu.dot_dimension_numbers<[1], [0], [0], [1], [0, 0, 1, 1], [], []>, transpose_lhs_hint = false} : vector<2x64xf32>, vector<64x16384xf32>, vector<2x16384xf32> -> vector<2x16384xf32>
    %get3A_6 = arith.constant 0 : index
    %get3A_7 = arith.constant 0 : index
    %get3A_8 = vector.load %arg3[%get3A_6, %get3A_7] : memref<2x1xf32, #tpu.memory_space<vmem>>, vector<2x1xf32>
    %add3A = vector.broadcast %get3A_8 : vector<2x1xf32> to vector<2x16384xf32>
    %add3A_9 = arith.addf %dot_general3A_5, %add3A : vector<2x16384xf32>
    %slice3A = vector.extract_strided_slice %add3A_9 {offsets = [0, 0], sizes = [1, 16384], strides = [1, 1]} : vector<2x16384xf32> to vector<1x16384xf32>
    %squeeze3A = vector.shape_cast %slice3A : vector<1x16384xf32> to vector<16384xf32>
    %swap3A = arith.constant 0 : index
    %swap3A_10 = vector.load %arg4[%swap3A] : memref<16384xf32, #tpu.memory_space<vmem>>, vector<16384xf32>
    tpu.vector_store %arg4[%swap3A], %squeeze3A {strides = array<i32>} : memref<16384xf32, #tpu.memory_space<vmem>>, vector<16384xf32>,
    %slice3A_11 = vector.extract_strided_slice %add3A_9 {offsets = [1, 0], sizes = [1, 16384], strides = [1, 1]} : vector<2x16384xf32> to vector<1x16384xf32>
    %squeeze3A_12 = vector.shape_cast %slice3A_11 : vector<1x16384xf32> to vector<16384xf32>
    %swap3A_13 = arith.constant 0 : index
    %swap3A_14 = vector.load %arg5[%swap3A_13] : memref<16384xf32, #tpu.memory_space<vmem>>, vector<16384xf32>
    tpu.vector_store %arg5[%swap3A_13], %squeeze3A_12 {strides = array<i32>} : memref<16384xf32, #tpu.memory_space<vmem>>, vector<16384xf32>,
    return
  }
  func.func @transform_0(%arg0: i32) -> (i32, i32) {
    %c0_i32 = arith.constant 0 : i32
    %c0_i32_0 = arith.constant 0 : i32
    return %c0_i32, %arg0 : i32, i32
  }
  func.func @transform_1(%arg0: i32) -> (i32, i32) {
    %c0_i32 = arith.constant 0 : i32
    %c0_i32_0 = arith.constant 0 : i32
    %c0_i32_1 = arith.constant 0 : i32
    return %c0_i32, %c0_i32_0 : i32, i32
  }
  func.func @transform_2(%arg0: i32) -> (i32, i32) {
    %c0_i32 = arith.constant 0 : i32
    %c0_i32_0 = arith.constant 0 : i32
    %c0_i32_1 = arith.constant 0 : i32
    return %c0_i32, %c0_i32_0 : i32, i32
  }
  func.func @transform_3(%arg0: i32) -> i32 {
    %c0_i32 = arith.constant 0 : i32
    return %arg0 : i32
  }
  func.func @transform_4(%arg0: i32) -> i32 {
    %c0_i32 = arith.constant 0 : i32
    return %arg0 : i32
  }
}

</mosaic_0001>

<sc_bundles>
// kernel: kernel.4.cloned.1.call-start
scs
__scs_entry_jumppad:
0x0: {  	(pc) =	sbr.rel $0x88, $3  }
0x1: {  	(tag) =	ssettag $0x0;
	lr =	simm.s32 $0x1  }
0x2: {  	[smem:$0x3F9D] =	sst lr;
	_ =	strace $0xD0000000  }
0x3: {  	_ = 	snop  }
0x4: {  	_ = 	snop  }
0x5: {  	_ = 	snop  }
0x6: {  	_ = 	snop  }
0x7: {  	_ = 	snop  }
__scs_overlays_trampoline_lowered:
0x8: {  	[smem:$0x3FAC] =	sst s0  }
0x9: {  	[smem:$0x3FAD] =	sst s1  }
0xa: {  	[smem:$0x3FAE] =	sst s2  }
0xb: {  	[smem:$0x3FAF] =	sst s3  }
0xc: {  	[smem:$0x3FB0] =	sst s4  }
0xd: {  	[smem:$0x3FB1] =	sst s5  }
0xe: {  	[smem:$0x3FB2] =	sst s6  }
0xf: {  	[smem:$0x3FB3] =	sst s7  }
0x10: {  	[smem:$0x3FB4] =	sst s8  }
0x11: {  	[smem:$0x3FB5] =	sst s9;
	s0 =	simm.s32 @!p0 $0x0  }
0x12: {  	s1 =	sld [smem:$0x3F9B];
	s0 =	simm.s32 @p0 $0x1  }
0x13: {  	[smem:$0x3FB6] =	sst s0;
	s0 =	simm.s32 @!p1 $0x0  }
0x14: {  	s2 =	sld [smem:$0x3F9A];
	s0 =	simm.s32 @p1 $0x1  }
0x15: {  	[smem:$0x3FB7] =	sst s0;
	s0 =	simm.s32 @!p2 $0x0  }
0x16: {  	s3 =	sld [smem:$0x3FDB];
	s0 =	simm.s32 @p2 $0x1  }
0x17: {  	s4 =	simm.s32 $0x1BF5;
	[smem:$0x3FB9] =	sst s0  }
0x18: {  	s0 =	sld [smem:$0x3F9C];
	_ =	swait.ge [sflag:s4], $0x0  }
0x19: {  	s7 =	sld [smem:$0x3F9D]  }
0x1a: {  	s8 =	sadd.s32 $0xFFFFE003, lr  }
0x1b: {  	s9 =	sadd.s32 $0xFFFFFEF7, lr;
	s5 =	simm.s32 $0xFFFFFFFF;
	p2 =	slt.u32 s8, $0xFFFFF086  }
0x1c: {  	p1 =	slt.u32 s9, $0xF7A;
	s5 =	simm.s32 @!p2 $0x0  }
0x1d: {  	s5 =	simm.s32 @p1 $0x1;
	p0 =	seq.s32 s7, s2  }
0x1e: {  	s7 =	smul.u32 @!p0 $0xF7A, s2;
	p2 =	seq.s32 @!p0 s5, $0x0  }
0x1f: {  	s9 =	smul.u32 $0xF7A, s1;
	s8 =	simm.s32 @!p0 $0x1BF5;
	p2 =	por !p2, p0  }
0x20: {  	[sflag:s8] =	ssyncset.s32 @!p0 $0xFFFFF086;
	s6 =	sadd.s32 @!p0 s3, s7;
	s7 =	simm.s32 @!p0 $0x108  }
0x21: {  	s3 =	sadd.s32 s3, s9;
	s6 =	sadd.s32 @!p0 $0x88, s6;
	s7 =	simm.s32 @p2 $0x1082  }
0x22: {  	[simem:s7], [sflag:s8] =	dma.local @!p0 [hbm:s6], $0xF7A  }
0x23: {  	s9 =	sor.u32 $0xD0000000, s2;
	s6 =	simm.s32 $0x108;
	_ =	swait.ge @!p0 [sflag:s8], $0x0  }
0x24: {  	s3 =	sadd.s32 $0x88, s3;
	s6 =	simm.s32 @!p1 $0x1082;
	[sflag:s4] =	ssyncset.s32 $0xFFFFF086  }
0x25: {  	[simem:s6], [sflag:s4] =	dma.local [hbm:s3], $0xF7A  }
0x26: {  	[smem:$0x3F9D] =	sst s1;
	(tag) =	ssettag s2;
	_ =	strace s9  }
0x27: {  	s1 =	sld [smem:$0x3FAD]  }
0x28: {  	s2 =	sld [smem:$0x3FAE]  }
0x29: {  	s4 =	sld [smem:$0x3FB0]  }
0x2a: {  	p0 =	seq.s32 s5, $0x0;
	s5 =	sld [smem:$0x3FB1]  }
0x2b: {  	s6 =	sld [smem:$0x3FB2]  }
0x2c: {  	s7 =	sld [smem:$0x3FB3]  }
0x2d: {  	s3 =	simm.s32 $0x108;
	s8 =	sld [smem:$0x3FB4]  }
0x2e: {  	s3 =	simm.s32 @!p0 $0x1082;
	s9 =	sld [smem:$0x3FB5]  }
0x2f: {  	lr =	sadd.s32 s0, s3;
	s0 =	sld [smem:$0x3FAC]  }
0x30: {  	s3 =	sld [smem:$0x3FAF]  }
0x31: {  	[smem:$0x3FB8] =	sst s10  }
0x32: {  	s10 =	sld [smem:$0x3FB6];
	_ =	sdelay $0x3  }
0x33: {  	p0 =	seq.s32 s10, $0x1;
	s10 =	sld [smem:$0x3FB8];
	_ =	sdelay $0x3  }
0x34: {  	[smem:$0x3FB8] =	sst s10  }
0x35: {  	s10 =	sld [smem:$0x3FB7];
	_ =	sdelay $0x3  }
0x36: {  	p1 =	seq.s32 s10, $0x1;
	s10 =	sld [smem:$0x3FB8];
	_ =	sdelay $0x3  }
0x37: {  	[smem:$0x3FB8] =	sst s10  }
0x38: {  	s10 =	sld [smem:$0x3FB9]  }
0x39: {  	_ = 	snop;
	(pc) =	sbr.ind lr, $3  }
0x3a: {  	_ = 	snop  }
0x3b: {  	_ = 	snop  }
0x3c: {  	p2 =	seq.s32 s10, $0x1;
	s10 =	sld [smem:$0x3FB8]  }
0x3d: {  	_ =	shalt  }
0x3e: {  	_ =	shalt  }
0x3f: {  	_ =	shalt  }
0x40: {  	_ =	shalt  }
0x41: {  	_ =	shalt  }
0x42: {  	_ =	shalt  }
0x43: {  	_ =	shalt  }
0x44: {  	_ =	shalt  }
0x45: {  	_ =	shalt  }
0x46: {  	_ =	shalt  }
0x47: {  	_ =	shalt  }
0x48: {  	_ =	shalt  }
0x49: {  	_ =	shalt  }
0x4a: {  	_ =	shalt  }
0x4b: {  	_ =	shalt  }
0x4c: {  	_ =	shalt  }
0x4d: {  	_ =	shalt  }
0x4e: {  	_ =	shalt  }
0x4f: {  	_ =	shalt  }
0x50: {  	_ =	shalt  }
0x51: {  	_ =	shalt  }
0x52: {  	_ =	shalt  }
0x53: {  	_ =	shalt  }
0x54: {  	_ =	shalt  }
0x55: {  	_ =	shalt  }
0x56: {  	_ =	shalt  }
0x57: {  	_ =	shalt  }
0x58: {  	_ =	shalt  }
0x59: {  	_ =	shalt  }
0x5a: {  	_ =	shalt  }
0x5b: {  	_ =	shalt  }
0x5c: {  	_ =	shalt  }
0x5d: {  	_ =	shalt  }
0x5e: {  	_ =	shalt  }
0x5f: {  	_ =	shalt  }
0x60: {  	_ =	shalt  }
0x61: {  	_ =	shalt  }
0x62: {  	_ =	shalt  }
0x63: {  	_ =	shalt  }
0x64: {  	_ =	shalt  }
0x65: {  	_ =	shalt  }
0x66: {  	_ =	shalt  }
0x67: {  	_ =	shalt  }
0x68: {  	_ =	shalt  }
0x69: {  	_ =	shalt  }
0x6a: {  	_ =	shalt  }
0x6b: {  	_ =	shalt  }
0x6c: {  	_ =	shalt  }
0x6d: {  	_ =	shalt  }
0x6e: {  	_ =	shalt  }
0x6f: {  	_ =	shalt  }
0x70: {  	_ =	shalt  }
0x71: {  	_ =	shalt  }
0x72: {  	_ =	shalt  }
0x73: {  	_ =	shalt  }
0x74: {  	_ =	shalt  }
0x75: {  	_ =	shalt  }
0x76: {  	_ =	shalt  }
0x77: {  	_ =	shalt  }
0x78: {  	_ =	shalt  }
0x79: {  	_ =	shalt  }
0x7a: {  	_ =	shalt  }
0x7b: {  	_ =	shalt  }
0x7c: {  	_ =	shalt  }
0x7d: {  	_ =	shalt  }
0x7e: {  	_ =	shalt  }
0x7f: {  	_ =	shalt  }
0x80: {  	_ =	shalt  }
0x81: {  	_ =	shalt  }
0x82: {  	_ =	shalt  }
0x83: {  	_ =	shalt  }
0x84: {  	_ =	shalt  }
0x85: {  	_ =	shalt  }
0x86: {  	_ =	shalt  }
0x87: {  	_ =	shalt  }
.Lfunc_end0:
.L_simem_size_0:
called_computation_lowered:
.L_overlay_start_0:
0x88: {  	s2 =	sld [smem:$0x3FD9]  }
0x89: {  	s3 =	sld [smem:$0x3FFE];
	_ =	sdelay $0x1  }
0x8a: {  	s1 =	srdreg.scid  }
0x8b: {  	s0 =	sand.u32 $0x1, s1  }
0x8c: {  	s16 =	sshll.u32 s0, $0xA;
	s2 =	sadd.s32 s3, s2  }
0x8d: {  	s2 =	sadd.s32 s2, s16  }
0x8e: {  	[smem:$0x3FC4] =	sst s2  }
0x8f: {  	_ = 	snop  }
0x90: {  	(tm) =	ssettm $0x1  }
0x91: {  	s17 =	sld [smem:$0x3FFB];
	_ =	sdelay $0x3  }
0x92: {  	_ =	strace s17  }
0x93: {  	s2 =	sld [smem:$0x3FFC];
	_ =	sdelay $0x3  }
0x94: {  	_ =	strace s2  }
0x95: {  	s2 =	sld [smem:$0x3FFD];
	_ =	sdelay $0x3  }
0x96: {  	_ =	strace s2  }
0x97: {  	_ =	strace $0x8FFFFFFF  }
0x98: {  	s18 =	sld [smem:$0x3FDB];
	_ =	sdelay $0x1  }
0x99: {  	s19 =	simm.s32 $_scs_section_size  }
0x9a: {  	s4 =	simm.s32 $_size__tile_overlayer_lowered;
	s5 =	simm.s32 $_tile_overlayer_lowered  }
0x9b: {  	s22 =	simm.s32 $0x1BFF;
	s21 =	sshll.u32 s5, $0x1;
	s2 =	sadd.s32 s19, s18  }
0x9c: {  	s6 =	simm.s32 $0x0;
	s20 =	sshll.u32 s4, $0x1;
	s4 =	sadd.s32 s21, s2  }
0x9d: {  	[timem:s6], [sflag:s22] =	dma.local [hbm:s4], s20  }
0x9e: {  	_ =	swait.ge [sflag:s22], s20  }
0x9f: {  	s3 =	ssub.s32 $0x0, s20;
	[sflag:s22] =	ssyncset.done $0x0  }
0xa0: {  	[sflag:s22] =	ssyncadd.s32 s3;
	_ =	sdelay $0x1  }
0xa1: {  	s23 =	simm.s32 $0x1B8B  }
0xa2: {  	_ =	swait.ge [sflag:s23], $0x1  }
0xa3: {  	[sflag:s23] =	ssyncset.done $0x0  }
0xa4: {  	s25 =	simm.s32 $0x1B8E;
	s24 =	sld [smem:$0x3FFE];
	[sflag:s23] =	ssyncadd.s32 $0xFFFFFFFF  }
0xa5: {  	s26 =	simm.s32 $execute0_lowered;
	[smem:$0x3FD2] =	sst s25  }
0xa6: {  	s4 =	sshll.u32 s26, $0x1;
	_ =	strace $0x80000046;
	[dreg:$0x1] =	wrdreg $0xFFFFFFFF  }
0xa7: {  	s28 =	simm.s32 $_size_execute0_lowered;
	s2 =	sadd.s32 s2, s4;
	[dreg:$0x0] =	wrdreg $0x0  }
0xa8: {  	s4 =	sshll.u32 s28, $0x1;
	[dreg:$0x2] =	wrdreg s2  }
0xa9: {  	[dreg:$0x3] =	wrdreg s4  }
0xaa: {  	[dreg:$0x4] =	wrdreg $0xC0  }
0xab: {  	_ =	task [dreg:s6], $0x5FFFF  }
0xac: {  	[dreg:$0x1] =	wrdreg $0xFFFFFFFF  }
0xad: {  	[dreg:$0x0] =	wrdreg $0x60  }
0xae: {  	[dreg:$0x2] =	wrdreg s24  }
0xaf: {  	[dreg:$0x3] =	wrdreg $0x9  }
0xb0: {  	_ =	task.clear_ibuf [dreg:s6], $0x4FFFF;
	_ =	strace $0x90000046  }
0xb1: {  	s29 =	simm.s32 $0x9;
	_ =	strace $0x80000048  }
0xb2: {  	_ =	swait.ge [sflag:s29], $0x1  }
0xb3: {  	[sflag:s29] =	ssyncadd.s32 $0xFFFFFFFF  }
0xb4: {  	_ =	strace $0x90000048  }
0xb5: {  	_ =	sfence  }
0xb6: {  	s30 =	sld [smem:$0x0];
	_ =	sdelay $0x2  }
0xb7: {  	s31 =	sshll.u32 s1, $0xD;
	s1 =	sshrl.u32 s1, $0x2  }
0xb8: {  	s3 =	sand.u32 $0x4000, s31;
	s1 =	sadd.s32 s1, s30  }
0xb9: {  	s0 =	sor.u32 s3, s0;
	s1 =	sshll.u32 s1, $0x11  }
0xba: {  	s0 =	sor.u32 s1, s0  }
0xbb: {  	s0 =	sadd.s32 $0x8F2B, s0  }
0xbc: {  	[sflag:s0] =	ssyncadd.remote.s32 $0x1  }
0xbd: {  	_ =	sfence.sel $0xFFFF  }
0xbe: {  	[dreg:$0x0] =	wrdreg $0xFFFFFFFF;
	(pc) =	sbr.abs _section_cstart, $3  }
0xbf: {  	[dreg:$0x1] =	wrdreg $0xFFFFFFFF  }
0xc0: {  	_ =	task.clear_ibuf [dreg:s6], $0x2FFFF;
	_ =	strace $0x9FFFFFFF  }
0xc1: {  	(tm) =	ssettm $0x7FFFFFFF  }
tec
execute0_lowered:
.L_overlay_start_1:
0x0: {  	(tag) =	ssettag $0x1  }
0x1: {  	s5 =	rddreg [dreg:$0x0]  }
0x2: {  	s0 =	rddreg [dreg:$0x1];
	s2 =	simm.s32 $0x0;
	s3 =	srdreg.scid  }
0x3: {  	s1 =	stileid.u32;
	s10 =	simm.s32 $0x1000;
	s11 =	simm.s32 $0x2  }
0x4: {  	s12 =	simm.s32 $0x1;
	s13 =	simm.s32 $0x12C00;
	s14 =	simm.s32 $0x12C80  }
0x5: {  	s15 =	simm.s32 $0x0;
	[smem:$0x7FF] =	sst s2;
	s4 =	sand.u32 $0x1, s3  }
0x6: {  	s6 =	sshll.u32 s1, $0x5;
	s3 =	sadd.s32 $0x19A00, s5;
	s7 =	sshll.u32 s4, $0x4  }
0x7: {  	_ =	strace $0x80000047;
	s30 =	ssub.s32 $0x2, s4;
	s6 =	sor.u32 s7, s6  }
0x8: {  	s4 =	sadd.s32 $0x38400, s5;
	s31 =	sshrl.u32 s30, $0x1;
	s8 =	sadd.s32 s6, s5  }
0x9: {  	s9 =	ssub.s32 s30, s31;
	s5 =	sadd.s32 $0xA00, s8;
	s6 =	sadd.s32 $0x56E00, s8  }
0xa: {  	s7 =	sadd.s32 $0x57000, s8;
	s8 =	smax.u32 s9, $0x1;
	s9 =	simm.s32 $0x80  }
.LBB2_1:
0xb: {  	[tilespmem:s2], [sflag:$0x2] =	stream.strided.gather [hbm4b:s5+s9], $0x6400, s10, s9, $0x38;
	[tilespmem:$0x12D00] =	vst v63  }
0xc: {  	_ =	swait.ge [sflag:s11], $0x6400  }
0xd: {  	[sflag:s11] =	ssyncset.done $0x0  }
0xe: {  	s17 =	simm.s32 $0x0;
	s16 =	simm.s32 $0x6400;
	[sflag:s11] =	ssyncadd.s32 $0xFFFF9C00  }
0xf: {  	[tilespmem:s16], [sflag:$0x1] =	stream.indirect.gather [hbm4b:s3+s9], $0x1, s17, s9, $0xb8;
	[tilespmem:$0x12D00] =	vst v63  }
0x10: {  	s18 =	simm.s32 $0xC800;
	s16 =	simm.s32 $0x200  }
.LBB2_2:
0x11: {  	[tilespmem:s18], [sflag:$0x1] =	stream.indirect.gather [hbm4b:s4+s9], $0x1, s17, s9, $0xb8;
	[tilespmem:$0x12D00] =	vst v63  }
0x12: {  	s17 =	smov.u32 s16;
	p0 =	sne.s32 s16, $0x18E00  }
.Ltmp0:
0x13: {  	s16 =	sadd.s32 $0x200, s16;
	(pc) =	sbr.rel @p0 .LBB2_2-.Ltmp0, $4  }
0x14: {  	s17 =	sshra.s32 s17, $0x2  }
0x15: {  	s18 =	sadd.s32 $0x6400, s17  }
0x16: {  	[tilespmem:s18], [sflag:$0x1] =	stream.indirect.gather [hbm4b:s3+s9], $0x1, s17, s9, $0xb8;
	[tilespmem:$0x12D00] =	vst v63  }
0x17: {  	s18 =	sadd.s32 $0xC800, s17  }
0x18: {  	[tilespmem:s18], [sflag:$0x1] =	stream.indirect.gather [hbm4b:s4+s9], $0x1, s17, s9, $0xb8;
	[tilespmem:$0x12D00] =	vst v63  }
0x19: {  	_ =	swait.ge [sflag:s12], $0x6400  }
0x1a: {  	[sflag:s12] =	ssyncset.done $0x0  }
0x1b: {  	[sflag:s12] =	ssyncadd.s32 $0xFFFF9C00  }
0x1c: {  	_ =	swait.ge [sflag:s12], $0x6400  }
0x1d: {  	[sflag:s12] =	ssyncset.done $0x0  }
0x1e: {  	s31 =	simm.s32 $0x0;
	[sflag:s12] =	ssyncadd.s32 $0xFFFF9C00  }
0x1f: {  	v1 =	vld [tilespmem:s31+$0xC800]  }
0x20: {  	v0 =	vimm.f32 $0.0e+00;
	s16 =	simm.s32 $0x200;
	v2 =	vimm.f32 $0.0e+00;
	v3 =	vld [tilespmem:s31+$0x6400]  }
.LBB2_4:
0x21: {  	p0 =	sne.s32 s16, $0x18E00  }
.Ltmp1:
0x22: {  	_ = 	snop;
	(pc) =	sbr.rel @p0 .LBB2_4-.Ltmp1, $4  }
0x23: {  	_ = 	snop  }
0x24: {  	s17 =	sshra.s32 s16, $0x2;
	s16 =	sadd.s32 $0x200, s16;
	v0 =	vadd.f32 v1, v0  }
0x25: {  	v1 =	vld [tilespmem:s17+$0xC800];
	v2 =	vadd.f32 v3, v2  }
0x26: {  	v3 =	vld [tilespmem:s17+$0x6400]  }
0x27: {  	_ =	sdelay $0x2  }
0x28: {  	v0 =	vadd.f32 v1, v0  }
0x29: {  	v2 =	vadd.f32 v3, v2  }
0x2a: {  	[tilespmem:$0x12C80] =	vst v0  }
0x2b: {  	s17 =	simm.s32 $0x10;
	[tilespmem:$0x12C00] =	vst v2  }
0x2c: {  	v1 =	vld [tilespmem:s17+$0xC800]  }
0x2d: {  	s16 =	simm.s32 $0x240;
	v0 =	vimm.f32 $0.0e+00;
	v2 =	vimm.f32 $0.0e+00;
	v3 =	vld [tilespmem:s17+$0x6400]  }
.LBB2_6:
0x2e: {  	p0 =	sne.s32 s16, $0x18E40  }
.Ltmp2:
0x2f: {  	_ = 	snop;
	(pc) =	sbr.rel @p0 .LBB2_6-.Ltmp2, $4  }
0x30: {  	_ = 	snop  }
0x31: {  	s17 =	sshra.s32 s16, $0x2;
	s16 =	sadd.s32 $0x200, s16;
	v0 =	vadd.f32 v1, v0  }
0x32: {  	v1 =	vld [tilespmem:s17+$0xC800];
	v2 =	vadd.f32 v3, v2  }
0x33: {  	v3 =	vld [tilespmem:s17+$0x6400]  }
0x34: {  	_ =	sdelay $0x2  }
0x35: {  	v0 =	vadd.f32 v1, v0  }
0x36: {  	v2 =	vadd.f32 v3, v2  }
0x37: {  	[tilespmem:$0x12C90] =	vst v0  }
0x38: {  	s17 =	simm.s32 $0x20;
	[tilespmem:$0x12C10] =	vst v2  }
0x39: {  	v1 =	vld [tilespmem:s17+$0xC800]  }
0x3a: {  	s16 =	simm.s32 $0x280;
	v0 =	vimm.f32 $0.0e+00;
	v2 =	vimm.f32 $0.0e+00;
	v3 =	vld [tilespmem:s17+$0x6400]  }
.LBB2_8:
0x3b: {  	p0 =	sne.s32 s16, $0x18E80  }
.Ltmp3:
0x3c: {  	_ = 	snop;
	(pc) =	sbr.rel @p0 .LBB2_8-.Ltmp3, $4  }
0x3d: {  	_ = 	snop  }
0x3e: {  	s17 =	sshra.s32 s16, $0x2;
	s16 =	sadd.s32 $0x200, s16;
	v0 =	vadd.f32 v1, v0  }
0x3f: {  	v1 =	vld [tilespmem:s17+$0xC800];
	v2 =	vadd.f32 v3, v2  }
0x40: {  	v3 =	vld [tilespmem:s17+$0x6400]  }
0x41: {  	_ =	sdelay $0x2  }
0x42: {  	v0 =	vadd.f32 v1, v0  }
0x43: {  	v2 =	vadd.f32 v3, v2  }
0x44: {  	[tilespmem:$0x12CA0] =	vst v0  }
0x45: {  	s17 =	simm.s32 $0x30;
	[tilespmem:$0x12C20] =	vst v2  }
0x46: {  	v1 =	vld [tilespmem:s17+$0xC800]  }
0x47: {  	s16 =	simm.s32 $0x2C0;
	v0 =	vimm.f32 $0.0e+00;
	v2 =	vimm.f32 $0.0e+00;
	v3 =	vld [tilespmem:s17+$0x6400]  }
.LBB2_10:
0x48: {  	p0 =	sne.s32 s16, $0x18EC0  }
.Ltmp4:
0x49: {  	_ = 	snop;
	(pc) =	sbr.rel @p0 .LBB2_10-.Ltmp4, $4  }
0x4a: {  	_ = 	snop  }
0x4b: {  	s17 =	sshra.s32 s16, $0x2;
	s16 =	sadd.s32 $0x200, s16;
	v0 =	vadd.f32 v1, v0  }
0x4c: {  	v1 =	vld [tilespmem:s17+$0xC800];
	v2 =	vadd.f32 v3, v2  }
0x4d: {  	v3 =	vld [tilespmem:s17+$0x6400]  }
0x4e: {  	_ =	sdelay $0x2  }
0x4f: {  	v0 =	vadd.f32 v1, v0  }
0x50: {  	v2 =	vadd.f32 v3, v2  }
0x51: {  	[tilespmem:$0x12CB0] =	vst v0  }
0x52: {  	s17 =	simm.s32 $0x40;
	[tilespmem:$0x12C30] =	vst v2  }
0x53: {  	v1 =	vld [tilespmem:s17+$0xC800]  }
0x54: {  	s16 =	simm.s32 $0x300;
	v0 =	vimm.f32 $0.0e+00;
	v2 =	vimm.f32 $0.0e+00;
	v3 =	vld [tilespmem:s17+$0x6400]  }
.LBB2_12:
0x55: {  	p0 =	sne.s32 s16, $0x18F00  }
.Ltmp5:
0x56: {  	_ = 	snop;
	(pc) =	sbr.rel @p0 .LBB2_12-.Ltmp5, $4  }
0x57: {  	_ = 	snop  }
0x58: {  	s17 =	sshra.s32 s16, $0x2;
	s16 =	sadd.s32 $0x200, s16;
	v0 =	vadd.f32 v1, v0  }
0x59: {  	v1 =	vld [tilespmem:s17+$0xC800];
	v2 =	vadd.f32 v3, v2  }
0x5a: {  	v3 =	vld [tilespmem:s17+$0x6400]  }
0x5b: {  	_ =	sdelay $0x2  }
0x5c: {  	v0 =	vadd.f32 v1, v0  }
0x5d: {  	v2 =	vadd.f32 v3, v2  }
0x5e: {  	[tilespmem:$0x12CC0] =	vst v0  }
0x5f: {  	s17 =	simm.s32 $0x50;
	[tilespmem:$0x12C40] =	vst v2  }
0x60: {  	v1 =	vld [tilespmem:s17+$0xC800]  }
0x61: {  	s16 =	simm.s32 $0x340;
	v0 =	vimm.f32 $0.0e+00;
	v2 =	vimm.f32 $0.0e+00;
	v3 =	vld [tilespmem:s17+$0x6400]  }
.LBB2_14:
0x62: {  	p0 =	sne.s32 s16, $0x18F40  }
.Ltmp6:
0x63: {  	_ = 	snop;
	(pc) =	sbr.rel @p0 .LBB2_14-.Ltmp6, $4  }
0x64: {  	_ = 	snop  }
0x65: {  	s17 =	sshra.s32 s16, $0x2;
	s16 =	sadd.s32 $0x200, s16;
	v0 =	vadd.f32 v1, v0  }
0x66: {  	v1 =	vld [tilespmem:s17+$0xC800];
	v2 =	vadd.f32 v3, v2  }
0x67: {  	v3 =	vld [tilespmem:s17+$0x6400]  }
0x68: {  	_ =	sdelay $0x2  }
0x69: {  	v0 =	vadd.f32 v1, v0  }
0x6a: {  	v2 =	vadd.f32 v3, v2  }
0x6b: {  	[tilespmem:$0x12CD0] =	vst v0  }
0x6c: {  	s17 =	simm.s32 $0x60;
	[tilespmem:$0x12C50] =	vst v2  }
0x6d: {  	v1 =	vld [tilespmem:s17+$0xC800]  }
0x6e: {  	s16 =	simm.s32 $0x380;
	v0 =	vimm.f32 $0.0e+00;
	v2 =	vimm.f32 $0.0e+00;
	v3 =	vld [tilespmem:s17+$0x6400]  }
.LBB2_16:
0x6f: {  	p0 =	sne.s32 s16, $0x18F80  }
.Ltmp7:
0x70: {  	_ = 	snop;
	(pc) =	sbr.rel @p0 .LBB2_16-.Ltmp7, $4  }
0x71: {  	_ = 	snop  }
0x72: {  	s17 =	sshra.s32 s16, $0x2;
	s16 =	sadd.s32 $0x200, s16;
	v0 =	vadd.f32 v1, v0  }
0x73: {  	v1 =	vld [tilespmem:s17+$0xC800];
	v2 =	vadd.f32 v3, v2  }
0x74: {  	v3 =	vld [tilespmem:s17+$0x6400]  }
0x75: {  	_ =	sdelay $0x2  }
0x76: {  	v0 =	vadd.f32 v1, v0  }
0x77: {  	v2 =	vadd.f32 v3, v2  }
0x78: {  	[tilespmem:$0x12CE0] =	vst v0  }
0x79: {  	s17 =	simm.s32 $0x70;
	[tilespmem:$0x12C60] =	vst v2  }
0x7a: {  	v1 =	vld [tilespmem:s17+$0xC800]  }
0x7b: {  	s16 =	simm.s32 $0x3C0;
	v0 =	vimm.f32 $0.0e+00;
	v2 =	vimm.f32 $0.0e+00;
	v3 =	vld [tilespmem:s17+$0x6400]  }
.LBB2_18:
0x7c: {  	p0 =	sne.s32 s16, $0x18FC0  }
.Ltmp8:
0x7d: {  	_ = 	snop;
	(pc) =	sbr.rel @p0 .LBB2_18-.Ltmp8, $4  }
0x7e: {  	_ = 	snop  }
0x7f: {  	s17 =	sshra.s32 s16, $0x2;
	s16 =	sadd.s32 $0x200, s16;
	v0 =	vadd.f32 v1, v0  }
0x80: {  	v1 =	vld [tilespmem:s17+$0xC800];
	v2 =	vadd.f32 v3, v2  }
0x81: {  	v3 =	vld [tilespmem:s17+$0x6400]  }
0x82: {  	_ =	sdelay $0x2  }
0x83: {  	v0 =	vadd.f32 v1, v0  }
0x84: {  	v2 =	vadd.f32 v3, v2  }
0x85: {  	[tilespmem:$0x12CF0] =	vst v0  }
0x86: {  	[tilespmem:$0x12C70] =	vst v2  }
0x87: {  	[hbm4b:s6+s2] =	stream.linear.scatter [tilespmem:s13], [sflag:$0x2], $0x80, $0x38;
	[tilespmem:$0x12D00] =	vst v63  }
0x88: {  	s15 =	sadd.s32 $0x1, s15;
	_ =	swait.ge [sflag:s11], $0x80  }
0x89: {  	p0 =	sne.s32 s15, s8;
	[sflag:s11] =	ssyncset.done $0x0  }
.Ltmp9:
0x8a: {  	[sflag:s11] =	ssyncadd.s32 $0xFFFFFF80;
	(pc) =	sbr.rel @p0 .LBB2_1-.Ltmp9, $4  }
0x8b: {  	[hbm4b:s7+s2] =	stream.linear.scatter [tilespmem:s14], [sflag:$0x2], $0x80, $0x38;
	[tilespmem:$0x12D00] =	vst v63  }
0x8c: {  	_ =	swait.ge [sflag:s11], $0x80  }
0x8d: {  	[sflag:s11] =	ssyncset.done $0x0  }
0x8e: {  	[sflag:s11] =	ssyncadd.s32 $0xFFFFFF80  }
0x8f: {  	_ =	sfence.sel $0x180000  }
0x90: {  	[bflag:$0x0] =	sbarrier.arrive $0xFFFF  }
0x91: {  	p0 =	sne.s32 s1, $0x0;
	_ =	strace $0x90000047  }
0x92: {  	s0 =	sadd.s32 @!p0 $0x100000, s0;
	[bflag:$0x2] =	sbarrier.arrive $0xFFFF  }
0x93: {  	[sflag:s0] =	ssyncadd.tile.s32 @!p0 $0x1;
	_ =	shalt  }
.Lfunc_end2:
_tile_overlayer_lowered:
.L_overlay_start_2:
0x94: {  	(tag) =	ssettag $0x2  }
0x95: {  	s0 =	rddreg [dreg:$0x0];
	s2 =	stileid.u32  }
0x96: {  	s1 =	rddreg [dreg:$0x1];
	p0 =	sne.s32 s2, $0x0  }
0x97: {  	s3 =	rddreg [dreg:$0x2];
	[bflag:$0x3] =	sbarrier.arrive $0xFFFF;
	s2 =	simm.s32 @!p0 $0x1C02  }
0x98: {  	[timem:s3], [sflag:s2] =	dma.local @!p0 [hbm:s0], s1  }
0x99: {  	s0 =	simm.s32 @!p0 $0x2  }
0x9a: {  	_ =	swait.ge @!p0 [sflag:s0], s1  }
0x9b: {  	s1 =	ssub.s32 @!p0 $0x0, s1;
	[sflag:s0] =	ssyncset.done @!p0 $0x0  }
0x9c: {  	[sflag:s0] =	ssyncadd.s32 @!p0 s1  }
0x9d: {  	[bflag:$0x3] =	sbarrier.arrive $0xFFFF  }
0x9e: {  	_ =	shalt  }

</sc_bundles>
